<compile_context>
chip_gen: v7x
topology: tpu7x:2x2x1
jax: 0.10.2.dev20260603
libtpu: 0.0.44.dev20260713+nightly
codegen_flags: <defaults>
</compile_context>

<pallas_src>
import functools

import jax
import jax.numpy as jnp
from jax import lax
from jax.experimental import pallas as pl
from jax.experimental.pallas import tpu as pltpu
from jax.experimental.pallas import tpu_sc as plsc

_NC, _NS = 2, 16
_NW = _NC * _NS


def _make_sc_gather(num_groups, group_in, group_out, vocab, embed):
    groups_per_w = num_groups // _NW
    mesh = plsc.VectorSubcoreMesh(
        core_axis_name="c", subcore_axis_name="s",
        num_cores=_NC, num_subcores=_NS)

    @functools.partial(
        pl.kernel,
        out_type=jax.ShapeDtypeStruct(
            (num_groups * group_out, embed), jnp.float32),
        mesh=mesh,
        compiler_params=pltpu.CompilerParams(
            use_tc_tiling_on_sc=False, needs_layout_passes=False),
        scratch_types=[
            pltpu.VMEM((group_out,), jnp.int32),
            pltpu.VMEM((group_in,), jnp.int32),
            pltpu.VMEM((group_in,), jnp.int32),
            pltpu.VMEM((group_out,), jnp.int32),
            pltpu.VMEM((group_out,), jnp.int32),
            pltpu.VMEM((group_out, embed), jnp.float32),
            pltpu.VMEM((group_out, embed), jnp.float32),
            pltpu.SemaphoreType.DMA,
            pltpu.SemaphoreType.DMA,
        ],
    )
    def gather(x_hbm, perm_hbm, table_hbm, out_hbm, perm_v,
               xb0, xb1, idx_v0, idx_v1, rows_v0, rows_v1, sem0, sem1):
        wid = lax.axis_index("s") * _NC + lax.axis_index("c")
        gbase = wid * groups_per_w
        xbs = (xb0, xb1)
        idxs = (idx_v0, idx_v1)
        rows = (rows_v0, rows_v1)
        sems = (sem0, sem1)
        pltpu.sync_copy(perm_hbm, perm_v)

        def start(i, b):
            g = gbase + i
            pltpu.sync_copy(x_hbm.at[pl.ds(g * group_in, group_in)], xbs[b])

            def pbody(p16, carry):
                pv = perm_v[pl.ds(p16 * 16, 16)]
                idxs[b][pl.ds(p16 * 16, 16)] = plsc.load_gather(xbs[b], [pv])
                return carry

            lax.fori_loop(0, group_out // 16, pbody, 0)
            pltpu.async_copy(table_hbm.at[idxs[b]], rows[b], sems[b])

        def finish(i, b):
            pltpu.make_async_copy(
                table_hbm.at[idxs[b]], rows[b], sems[b]).wait()
            off = (gbase + i) * group_out
            pltpu.sync_copy(rows[b], out_hbm.at[pl.ds(off, group_out)])

        start(0, 0)
        start(1, 1)

        def body(g, carry):
            i = 2 * g
            finish(i, 0)
            start(i + 2, 0)
            finish(i + 1, 1)
            start(i + 3, 1)
            return carry

        lax.fori_loop(0, groups_per_w // 2 - 1, body, 0)
        finish(groups_per_w - 2, 0)
        finish(groups_per_w - 1, 1)

    return gather


def _mlp_tiles(tiles, w1tp, b1, w2t, b2, batch):
    ngrp, tcs, gb, lane = tiles.shape
    hid = w1tp.shape[2]
    out = w2t.shape[1]
    gblk = 128
    bb = gblk * gb

    def body(f_ref, w1_ref, b1_ref, w2_ref, b2_ref, o_ref):
        acc = None
        for tc in range(tcs):
            lhs = f_ref[:, tc, :, :].reshape(bb, lane)
            p = jnp.dot(lhs, w1_ref[tc],
                        preferred_element_type=jnp.float32)
            acc = p if acc is None else acc + p
        h = jnp.maximum(acc + b1_ref[...], 0.0)
        o_ref[...] = (
            jnp.dot(h, w2_ref[...], preferred_element_type=jnp.float32)
            + b2_ref[...])

    return pl.pallas_call(
        body,
        grid=(ngrp // gblk,),
        in_specs=[
            pl.BlockSpec((gblk, tcs, gb, lane), lambda i: (i, 0, 0, 0)),
            pl.BlockSpec((tcs, lane, hid), lambda i: (0, 0, 0)),
            pl.BlockSpec((1, hid), lambda i: (0, 0)),
            pl.BlockSpec((hid, out), lambda i: (0, 0)),
            pl.BlockSpec((1, out), lambda i: (0, 0)),
        ],
        out_specs=pl.BlockSpec((bb, out), lambda i: (i, 0)),
        out_shape=jax.ShapeDtypeStruct((batch, out), jnp.float32),
    )(tiles, w1tp, b1.reshape(1, hid), w2t, b2.reshape(1, out))


def kernel(x, table, W1, b1, W2, b2):
    batch, seq = x.shape
    vocab, embed = table.shape
    lpt = 128 // embed
    tcs = -(-seq // lpt)
    sp = tcs * lpt
    gb = 8
    ngrp = batch // gb
    num_slots = batch * sp
    p = jnp.arange(num_slots // ngrp, dtype=jnp.int32)
    s = (p // (gb * lpt)) * lpt + p % lpt
    perm = (p // lpt) % gb * seq + jnp.minimum(s, seq - 1)
    rows = _make_sc_gather(ngrp, gb * seq, num_slots // ngrp, vocab, embed)(
        x.reshape(batch * seq), perm, table)
    tiles = rows.reshape(ngrp, tcs, gb, lpt * embed)
    w1tp = jnp.pad(W1.T, ((0, tcs * 128 - seq * embed), (0, 0))).reshape(
        tcs, 128, W1.shape[0])
    return _mlp_tiles(tiles, w1tp, b1, W2.T, b2, batch)

# --- scband reference (transcript-rebuilt; emitter-appended) ---
"""Pipeline reference for scband-token-classifier-56547539419202 (READ-ONLY COPY).

The authoritative reference and input builder live on the scoring server;
editing this copy changes nothing except your own understanding.
"""

import jax, jax.numpy as jnp
import numpy as np

VOCAB = 1000000
EMBED = 32
BATCH = 16384
SEQ = 49

def setup_inputs(seed: int = 0) -> dict:
    key = jax.random.key(seed)
    k_x, k_tab, k_w1, k_b1, k_w2, k_b2 = jax.random.split(key, 6)
    x = jax.random.randint(k_x, (BATCH, SEQ), 0, VOCAB, dtype=jnp.int64 if jax.config.jax_enable_x64 else jnp.int32).astype(jnp.int32)
    table = jax.random.normal(k_tab, (VOCAB, EMBED), dtype=jnp.float32)
    W1 = jax.random.normal(k_w1, (128, SEQ * EMBED), dtype=jnp.float32) * (1.0 / np.sqrt(SEQ * EMBED))
    b1 = jax.random.normal(k_b1, (128,), dtype=jnp.float32) * 0.01
    W2 = jax.random.normal(k_w2, (10, 128), dtype=jnp.float32) * (1.0 / np.sqrt(128.0))
    b2 = jax.random.normal(k_b2, (10,), dtype=jnp.float32) * 0.01
    return {"x": x, "table": table, "W1": W1, "b1": b1, "W2": W2, "b2": b2}

def reference(x, table, W1, b1, W2, b2):
    # nn.Embedding lookup: gather rows of table
    emb = jnp.take(table, x, axis=0)  # [B, S, E]
    # nn.Flatten
    flat = emb.reshape(emb.shape[0], -1)  # [B, S*E]
    # Linear -> ReLU -> Linear
    h = flat @ W1.T + b1
    h = jnp.maximum(h, 0.0)
    out = h @ W2.T + b2
    return out

if __name__ == "__main__":
    import jax
    _d = setup_inputs()
    print(jax.jit(kernel)(*tuple(_d.values())))

</pallas_src>

<mosaic_0001>
#map = affine_map<(d0, d1) -> (0)>
#map1 = affine_map<(d0, d1) -> (0, 0)>
module attributes {stable_mosaic.version = 14 : i64} {
  func.func @gather(%arg0: i32, %arg1: i32, %arg2: memref<802816xi32, #tpu.memory_space<hbm>>, %arg3: memref<416xi32, #tpu.memory_space<hbm>>, %arg4: memref<1000000x32xf32, #tpu.memory_space<hbm>>, %arg5: memref<851968x32xf32, #tpu.memory_space<hbm>>, %arg6: memref<416xi32, #tpu.memory_space<vmem>>, %arg7: memref<392xi32, #tpu.memory_space<vmem>>, %arg8: memref<392xi32, #tpu.memory_space<vmem>>, %arg9: memref<416xi32, #tpu.memory_space<vmem>>, %arg10: memref<416xi32, #tpu.memory_space<vmem>>, %arg11: memref<416x32xf32, #tpu.memory_space<vmem>>, %arg12: memref<416x32xf32, #tpu.memory_space<vmem>>, %arg13: memref<!tpu.dma_semaphore, #tpu.memory_space<semaphore_mem>>, %arg14: memref<!tpu.dma_semaphore, #tpu.memory_space<semaphore_mem>>) attributes {dimension_semantics = [#tpu.dimension_semantics<core_parallel>, #tpu.dimension_semantics<subcore_parallel>], iteration_bounds = array<i64: 2, 16>, scalar_prefetch = 0 : i64, scratch_operands = 9 : i64, tpu.core_type = #tpu.core_type<sc_vector_subcore>, window_params = [{transform_indices = #map}, {transform_indices = #map}, {transform_indices = #map1}, {transform_indices = #map1}]} {
    %mul3A = arith.constant 2 : i32
    %mul3A_0 = arith.muli %arg1, %mul3A : i32
    %add3A = arith.addi %mul3A_0, %arg0 : i32
    %mul3A_1 = arith.constant 64 : i32
    %mul3A_2 = arith.muli %add3A, %mul3A_1 : i32
    "tpu.region"() ({
      %run_scoped3A = tpu.sem_alloc : memref<!tpu.dma_semaphore, #tpu.memory_space<semaphore_mem>>
      tpu.enqueue_dma source(%arg3 : memref<416xi32, #tpu.memory_space<hbm>>) target(%arg6 : memref<416xi32, #tpu.memory_space<vmem>>) target_semaphore(%run_scoped3A : memref<!tpu.dma_semaphore, #tpu.memory_space<semaphore_mem>>)
      tpu.wait_dma2 semaphore(%run_scoped3A : memref<!tpu.dma_semaphore, #tpu.memory_space<semaphore_mem>>) src(%arg3 : memref<416xi32, #tpu.memory_space<hbm>>) dst(%arg6 : memref<416xi32, #tpu.memory_space<vmem>>)
      tpu.yield
    }) : () -> ()
    %add3A_3 = arith.constant 0 : i32
    %add3A_4 = arith.addi %mul3A_2, %add3A_3 : i32
    %mul3A_5 = arith.constant 392 : i32
    %mul3A_6 = arith.muli %add3A_4, %mul3A_5 : i32
    "tpu.region"() ({
      %run_scoped3A = tpu.sem_alloc : memref<!tpu.dma_semaphore, #tpu.memory_space<semaphore_mem>>
      %dma_start3A_46 = tpu.memref_slice %arg2[%mul3A_6] : memref<802816xi32, #tpu.memory_space<hbm>> -> memref<392xi32, #tpu.memory_space<hbm>>
      %dma_start3A_47 = tpu.memref_slice %arg2[%mul3A_6] : memref<802816xi32, #tpu.memory_space<hbm>> -> memref<392xi32, #tpu.memory_space<hbm>>
      tpu.enqueue_dma source(%dma_start3A_47 : memref<392xi32, #tpu.memory_space<hbm>>) target(%arg7 : memref<392xi32, #tpu.memory_space<vmem>>) target_semaphore(%run_scoped3A : memref<!tpu.dma_semaphore, #tpu.memory_space<semaphore_mem>>)
      %dma_wait3A_48 = tpu.memref_slice %arg2[%mul3A_6] : memref<802816xi32, #tpu.memory_space<hbm>> -> memref<392xi32, #tpu.memory_space<hbm>>
      %dma_wait3A_49 = tpu.memref_slice %arg2[%mul3A_6] : memref<802816xi32, #tpu.memory_space<hbm>> -> memref<392xi32, #tpu.memory_space<hbm>>
      tpu.wait_dma2 semaphore(%run_scoped3A : memref<!tpu.dma_semaphore, #tpu.memory_space<semaphore_mem>>) src(%dma_wait3A_49 : memref<392xi32, #tpu.memory_space<hbm>>) dst(%arg7 : memref<392xi32, #tpu.memory_space<vmem>>)
      tpu.yield
    }) : () -> ()
    %scan3A = arith.constant 0 : i32
    %scan3A_7 = arith.constant 0 : i32
    %scan3A_8 = arith.constant 26 : i32
    %scan3A_9 = arith.addi %scan3A_7, %scan3A_8 : i32
    %scan3A_10 = arith.constant 1 : i32
    scf.for %scan3A_46 = %scan3A_7 to %scan3A_9 step %scan3A_10  : i32 {
      %mul3A_47 = arith.constant 16 : i32
      %mul3A_48 = arith.muli %scan3A_46, %mul3A_47 : i32
      %get3A = arith.index_cast %mul3A_48 : i32 to index
      %get3A_49 = tpu.vector_load %arg6[%get3A] {strides = array<i32>} : memref<416xi32, #tpu.memory_space<vmem>>, vector<16xi32>,
      %gather3A = tpu.vector_load_idx %arg7[%get3A_49] : memref<392xi32, #tpu.memory_space<vmem>>[vector<16xi32>], vector<16xi32>,
      %mul3A_50 = arith.constant 16 : i32
      %mul3A_51 = arith.muli %scan3A_46, %mul3A_50 : i32
      %swap3A = arith.index_cast %mul3A_51 : i32 to index
      %swap3A_52 = tpu.vector_load %arg9[%swap3A] {strides = array<i32>} : memref<416xi32, #tpu.memory_space<vmem>>, vector<16xi32>,
      tpu.vector_store %arg9[%swap3A], %gather3A {strides = array<i32>} : memref<416xi32, #tpu.memory_space<vmem>>, vector<16xi32>,
    }
    %scan3A_11 = arith.constant 26 : i32
    %dma_start3A = arith.constant 0 : i32
    %dma_start3A_12 = arith.constant 0 : i32
    %dma_start3A_13 = tpu.memref_slice %arg4[%dma_start3A, %dma_start3A_12] : memref<1000000x32xf32, #tpu.memory_space<hbm>> -> memref<1000000x32xf32, #tpu.memory_space<hbm>>
    tpu.enqueue_indirect_dma source(%dma_start3A_13 : memref<1000000x32xf32, #tpu.memory_space<hbm>>) target(%arg11 : memref<416x32xf32, #tpu.memory_space<vmem>>) offsets(%arg9 : memref<416xi32, #tpu.memory_space<vmem>>) semaphore(%arg13 : memref<!tpu.dma_semaphore, #tpu.memory_space<semaphore_mem>>)
    %add3A_14 = arith.constant 1 : i32
    %add3A_15 = arith.addi %mul3A_2, %add3A_14 : i32
    %mul3A_16 = arith.constant 392 : i32
    %mul3A_17 = arith.muli %add3A_15, %mul3A_16 : i32
    "tpu.region"() ({
      %run_scoped3A = tpu.sem_alloc : memref<!tpu.dma_semaphore, #tpu.memory_space<semaphore_mem>>
      %dma_start3A_46 = tpu.memref_slice %arg2[%mul3A_17] : memref<802816xi32, #tpu.memory_space<hbm>> -> memref<392xi32, #tpu.memory_space<hbm>>
      %dma_start3A_47 = tpu.memref_slice %arg2[%mul3A_17] : memref<802816xi32, #tpu.memory_space<hbm>> -> memref<392xi32, #tpu.memory_space<hbm>>
      tpu.enqueue_dma source(%dma_start3A_47 : memref<392xi32, #tpu.memory_space<hbm>>) target(%arg8 : memref<392xi32, #tpu.memory_space<vmem>>) target_semaphore(%run_scoped3A : memref<!tpu.dma_semaphore, #tpu.memory_space<semaphore_mem>>)
      %dma_wait3A_48 = tpu.memref_slice %arg2[%mul3A_17] : memref<802816xi32, #tpu.memory_space<hbm>> -> memref<392xi32, #tpu.memory_space<hbm>>
      %dma_wait3A_49 = tpu.memref_slice %arg2[%mul3A_17] : memref<802816xi32, #tpu.memory_space<hbm>> -> memref<392xi32, #tpu.memory_space<hbm>>
      tpu.wait_dma2 semaphore(%run_scoped3A : memref<!tpu.dma_semaphore, #tpu.memory_space<semaphore_mem>>) src(%dma_wait3A_49 : memref<392xi32, #tpu.memory_space<hbm>>) dst(%arg8 : memref<392xi32, #tpu.memory_space<vmem>>)
      tpu.yield
    }) : () -> ()
    %scan3A_18 = arith.constant 0 : i32
    %scan3A_19 = arith.constant 0 : i32
    %scan3A_20 = arith.constant 26 : i32
    %scan3A_21 = arith.addi %scan3A_19, %scan3A_20 : i32
    %scan3A_22 = arith.constant 1 : i32
    scf.for %scan3A_46 = %scan3A_19 to %scan3A_21 step %scan3A_22  : i32 {
      %mul3A_47 = arith.constant 16 : i32
      %mul3A_48 = arith.muli %scan3A_46, %mul3A_47 : i32
      %get3A = arith.index_cast %mul3A_48 : i32 to index
      %get3A_49 = tpu.vector_load %arg6[%get3A] {strides = array<i32>} : memref<416xi32, #tpu.memory_space<vmem>>, vector<16xi32>,
      %gather3A = tpu.vector_load_idx %arg8[%get3A_49] : memref<392xi32, #tpu.memory_space<vmem>>[vector<16xi32>], vector<16xi32>,
      %mul3A_50 = arith.constant 16 : i32
      %mul3A_51 = arith.muli %scan3A_46, %mul3A_50 : i32
      %swap3A = arith.index_cast %mul3A_51 : i32 to index
      %swap3A_52 = tpu.vector_load %arg10[%swap3A] {strides = array<i32>} : memref<416xi32, #tpu.memory_space<vmem>>, vector<16xi32>,
      tpu.vector_store %arg10[%swap3A], %gather3A {strides = array<i32>} : memref<416xi32, #tpu.memory_space<vmem>>, vector<16xi32>,
    }
    %scan3A_23 = arith.constant 26 : i32
    %dma_start3A_24 = arith.constant 0 : i32
    %dma_start3A_25 = arith.constant 0 : i32
    %dma_start3A_26 = tpu.memref_slice %arg4[%dma_start3A_24, %dma_start3A_25] : memref<1000000x32xf32, #tpu.memory_space<hbm>> -> memref<1000000x32xf32, #tpu.memory_space<hbm>>
    tpu.enqueue_indirect_dma source(%dma_start3A_26 : memref<1000000x32xf32, #tpu.memory_space<hbm>>) target(%arg12 : memref<416x32xf32, #tpu.memory_space<vmem>>) offsets(%arg10 : memref<416xi32, #tpu.memory_space<vmem>>) semaphore(%arg14 : memref<!tpu.dma_semaphore, #tpu.memory_space<semaphore_mem>>)
    %scan3A_27 = arith.constant 0 : i32
    %scan3A_28 = arith.constant 0 : i32
    %scan3A_29 = arith.constant 31 : i32
    %scan3A_30 = arith.addi %scan3A_28, %scan3A_29 : i32
    %scan3A_31 = arith.constant 1 : i32
    scf.for %scan3A_46 = %scan3A_28 to %scan3A_30 step %scan3A_31  : i32 {
      %mul3A_47 = arith.constant 2 : i32
      %mul3A_48 = arith.muli %mul3A_47, %scan3A_46 : i32
      %dma_wait3A_49 = arith.constant 0 : i32
      %dma_wait3A_50 = arith.constant 0 : i32
      %dma_wait3A_51 = tpu.memref_slice %arg4[%dma_wait3A_49, %dma_wait3A_50] : memref<1000000x32xf32, #tpu.memory_space<hbm>> -> memref<1000000x32xf32, #tpu.memory_space<hbm>>
      tpu.wait_indirect_dma semaphore(%arg13 : memref<!tpu.dma_semaphore, #tpu.memory_space<semaphore_mem>>) src(%dma_wait3A_51 : memref<1000000x32xf32, #tpu.memory_space<hbm>>) dst(%arg11 : memref<416x32xf32, #tpu.memory_space<vmem>>)
      %add3A_52 = arith.addi %mul3A_2, %mul3A_48 : i32
      %mul3A_53 = arith.constant 416 : i32
      %mul3A_54 = arith.muli %add3A_52, %mul3A_53 : i32
      "tpu.region"() ({
        %run_scoped3A = tpu.sem_alloc : memref<!tpu.dma_semaphore, #tpu.memory_space<semaphore_mem>>
        %dma_start3A_91 = arith.constant 0 : i32
        %dma_start3A_92 = tpu.memref_slice %arg5[%mul3A_54, %dma_start3A_91] : memref<851968x32xf32, #tpu.memory_space<hbm>> -> memref<416x32xf32, #tpu.memory_space<hbm>>
        %dma_start3A_93 = arith.constant 0 : i32
        %dma_start3A_94 = tpu.memref_slice %arg5[%mul3A_54, %dma_start3A_93] : memref<851968x32xf32, #tpu.memory_space<hbm>> -> memref<416x32xf32, #tpu.memory_space<hbm>>
        tpu.enqueue_dma source(%arg11 : memref<416x32xf32, #tpu.memory_space<vmem>>) target(%dma_start3A_94 : memref<416x32xf32, #tpu.memory_space<hbm>>) target_semaphore(%run_scoped3A : memref<!tpu.dma_semaphore, #tpu.memory_space<semaphore_mem>>)
        %dma_wait3A_95 = arith.constant 0 : i32
        %dma_wait3A_96 = tpu.memref_slice %arg5[%mul3A_54, %dma_wait3A_95] : memref<851968x32xf32, #tpu.memory_space<hbm>> -> memref<416x32xf32, #tpu.memory_space<hbm>>
        %dma_wait3A_97 = arith.constant 0 : i32
        %dma_wait3A_98 = tpu.memref_slice %arg5[%mul3A_54, %dma_wait3A_97] : memref<851968x32xf32, #tpu.memory_space<hbm>> -> memref<416x32xf32, #tpu.memory_space<hbm>>
        tpu.wait_dma2 semaphore(%run_scoped3A : memref<!tpu.dma_semaphore, #tpu.memory_space<semaphore_mem>>) src(%arg11 : memref<416x32xf32, #tpu.memory_space<vmem>>) dst(%dma_wait3A_98 : memref<416x32xf32, #tpu.memory_space<hbm>>)
        tpu.yield
      }) : () -> ()
      %add3A_55 = arith.constant 2 : i32
      %add3A_56 = arith.addi %mul3A_48, %add3A_55 : i32
      %add3A_57 = arith.addi %mul3A_2, %add3A_56 : i32
      %mul3A_58 = arith.constant 392 : i32
      %mul3A_59 = arith.muli %add3A_57, %mul3A_58 : i32
      "tpu.region"() ({
        %run_scoped3A = tpu.sem_alloc : memref<!tpu.dma_semaphore, #tpu.memory_space<semaphore_mem>>
        %dma_start3A_91 = tpu.memref_slice %arg2[%mul3A_59] : memref<802816xi32, #tpu.memory_space<hbm>> -> memref<392xi32, #tpu.memory_space<hbm>>
        %dma_start3A_92 = tpu.memref_slice %arg2[%mul3A_59] : memref<802816xi32, #tpu.memory_space<hbm>> -> memref<392xi32, #tpu.memory_space<hbm>>
        tpu.enqueue_dma source(%dma_start3A_92 : memref<392xi32, #tpu.memory_space<hbm>>) target(%arg7 : memref<392xi32, #tpu.memory_space<vmem>>) target_semaphore(%run_scoped3A : memref<!tpu.dma_semaphore, #tpu.memory_space<semaphore_mem>>)
        %dma_wait3A_93 = tpu.memref_slice %arg2[%mul3A_59] : memref<802816xi32, #tpu.memory_space<hbm>> -> memref<392xi32, #tpu.memory_space<hbm>>
        %dma_wait3A_94 = tpu.memref_slice %arg2[%mul3A_59] : memref<802816xi32, #tpu.memory_space<hbm>> -> memref<392xi32, #tpu.memory_space<hbm>>
        tpu.wait_dma2 semaphore(%run_scoped3A : memref<!tpu.dma_semaphore, #tpu.memory_space<semaphore_mem>>) src(%dma_wait3A_94 : memref<392xi32, #tpu.memory_space<hbm>>) dst(%arg7 : memref<392xi32, #tpu.memory_space<vmem>>)
        tpu.yield
      }) : () -> ()
      %scan3A_60 = arith.constant 0 : i32
      %scan3A_61 = arith.constant 0 : i32
      %scan3A_62 = arith.constant 26 : i32
      %scan3A_63 = arith.addi %scan3A_61, %scan3A_62 : i32
      %scan3A_64 = arith.constant 1 : i32
      scf.for %scan3A_91 = %scan3A_61 to %scan3A_63 step %scan3A_64  : i32 {
        %mul3A_92 = arith.constant 16 : i32
        %mul3A_93 = arith.muli %scan3A_91, %mul3A_92 : i32
        %get3A = arith.index_cast %mul3A_93 : i32 to index
        %get3A_94 = tpu.vector_load %arg6[%get3A] {strides = array<i32>} : memref<416xi32, #tpu.memory_space<vmem>>, vector<16xi32>,
        %gather3A = tpu.vector_load_idx %arg7[%get3A_94] : memref<392xi32, #tpu.memory_space<vmem>>[vector<16xi32>], vector<16xi32>,
        %mul3A_95 = arith.constant 16 : i32
        %mul3A_96 = arith.muli %scan3A_91, %mul3A_95 : i32
        %swap3A = arith.index_cast %mul3A_96 : i32 to index
        %swap3A_97 = tpu.vector_load %arg9[%swap3A] {strides = array<i32>} : memref<416xi32, #tpu.memory_space<vmem>>, vector<16xi32>,
        tpu.vector_store %arg9[%swap3A], %gather3A {strides = array<i32>} : memref<416xi32, #tpu.memory_space<vmem>>, vector<16xi32>,
      }
      %scan3A_65 = arith.constant 26 : i32
      %dma_start3A_66 = arith.constant 0 : i32
      %dma_start3A_67 = arith.constant 0 : i32
      %dma_start3A_68 = tpu.memref_slice %arg4[%dma_start3A_66, %dma_start3A_67] : memref<1000000x32xf32, #tpu.memory_space<hbm>> -> memref<1000000x32xf32, #tpu.memory_space<hbm>>
      tpu.enqueue_indirect_dma source(%dma_start3A_68 : memref<1000000x32xf32, #tpu.memory_space<hbm>>) target(%arg11 : memref<416x32xf32, #tpu.memory_space<vmem>>) offsets(%arg9 : memref<416xi32, #tpu.memory_space<vmem>>) semaphore(%arg13 : memref<!tpu.dma_semaphore, #tpu.memory_space<semaphore_mem>>)
      %add3A_69 = arith.constant 1 : i32
      %add3A_70 = arith.addi %mul3A_48, %add3A_69 : i32
      %dma_wait3A_71 = arith.constant 0 : i32
      %dma_wait3A_72 = arith.constant 0 : i32
      %dma_wait3A_73 = tpu.memref_slice %arg4[%dma_wait3A_71, %dma_wait3A_72] : memref<1000000x32xf32, #tpu.memory_space<hbm>> -> memref<1000000x32xf32, #tpu.memory_space<hbm>>
      tpu.wait_indirect_dma semaphore(%arg14 : memref<!tpu.dma_semaphore, #tpu.memory_space<semaphore_mem>>) src(%dma_wait3A_73 : memref<1000000x32xf32, #tpu.memory_space<hbm>>) dst(%arg12 : memref<416x32xf32, #tpu.memory_space<vmem>>)
      %add3A_74 = arith.addi %mul3A_2, %add3A_70 : i32
      %mul3A_75 = arith.constant 416 : i32
      %mul3A_76 = arith.muli %add3A_74, %mul3A_75 : i32
      "tpu.region"() ({
        %run_scoped3A = tpu.sem_alloc : memref<!tpu.dma_semaphore, #tpu.memory_space<semaphore_mem>>
        %dma_start3A_91 = arith.constant 0 : i32
        %dma_start3A_92 = tpu.memref_slice %arg5[%mul3A_76, %dma_start3A_91] : memref<851968x32xf32, #tpu.memory_space<hbm>> -> memref<416x32xf32, #tpu.memory_space<hbm>>
        %dma_start3A_93 = arith.constant 0 : i32
        %dma_start3A_94 = tpu.memref_slice %arg5[%mul3A_76, %dma_start3A_93] : memref<851968x32xf32, #tpu.memory_space<hbm>> -> memref<416x32xf32, #tpu.memory_space<hbm>>
        tpu.enqueue_dma source(%arg12 : memref<416x32xf32, #tpu.memory_space<vmem>>) target(%dma_start3A_94 : memref<416x32xf32, #tpu.memory_space<hbm>>) target_semaphore(%run_scoped3A : memref<!tpu.dma_semaphore, #tpu.memory_space<semaphore_mem>>)
        %dma_wait3A_95 = arith.constant 0 : i32
        %dma_wait3A_96 = tpu.memref_slice %arg5[%mul3A_76, %dma_wait3A_95] : memref<851968x32xf32, #tpu.memory_space<hbm>> -> memref<416x32xf32, #tpu.memory_space<hbm>>
        %dma_wait3A_97 = arith.constant 0 : i32
        %dma_wait3A_98 = tpu.memref_slice %arg5[%mul3A_76, %dma_wait3A_97] : memref<851968x32xf32, #tpu.memory_space<hbm>> -> memref<416x32xf32, #tpu.memory_space<hbm>>
        tpu.wait_dma2 semaphore(%run_scoped3A : memref<!tpu.dma_semaphore, #tpu.memory_space<semaphore_mem>>) src(%arg12 : memref<416x32xf32, #tpu.memory_space<vmem>>) dst(%dma_wait3A_98 : memref<416x32xf32, #tpu.memory_space<hbm>>)
        tpu.yield
      }) : () -> ()
      %add3A_77 = arith.constant 3 : i32
      %add3A_78 = arith.addi %mul3A_48, %add3A_77 : i32
      %add3A_79 = arith.addi %mul3A_2, %add3A_78 : i32
      %mul3A_80 = arith.constant 392 : i32
      %mul3A_81 = arith.muli %add3A_79, %mul3A_80 : i32
      "tpu.region"() ({
        %run_scoped3A = tpu.sem_alloc : memref<!tpu.dma_semaphore, #tpu.memory_space<semaphore_mem>>
        %dma_start3A_91 = tpu.memref_slice %arg2[%mul3A_81] : memref<802816xi32, #tpu.memory_space<hbm>> -> memref<392xi32, #tpu.memory_space<hbm>>
        %dma_start3A_92 = tpu.memref_slice %arg2[%mul3A_81] : memref<802816xi32, #tpu.memory_space<hbm>> -> memref<392xi32, #tpu.memory_space<hbm>>
        tpu.enqueue_dma source(%dma_start3A_92 : memref<392xi32, #tpu.memory_space<hbm>>) target(%arg8 : memref<392xi32, #tpu.memory_space<vmem>>) target_semaphore(%run_scoped3A : memref<!tpu.dma_semaphore, #tpu.memory_space<semaphore_mem>>)
        %dma_wait3A_93 = tpu.memref_slice %arg2[%mul3A_81] : memref<802816xi32, #tpu.memory_space<hbm>> -> memref<392xi32, #tpu.memory_space<hbm>>
        %dma_wait3A_94 = tpu.memref_slice %arg2[%mul3A_81] : memref<802816xi32, #tpu.memory_space<hbm>> -> memref<392xi32, #tpu.memory_space<hbm>>
        tpu.wait_dma2 semaphore(%run_scoped3A : memref<!tpu.dma_semaphore, #tpu.memory_space<semaphore_mem>>) src(%dma_wait3A_94 : memref<392xi32, #tpu.memory_space<hbm>>) dst(%arg8 : memref<392xi32, #tpu.memory_space<vmem>>)
        tpu.yield
      }) : () -> ()
      %scan3A_82 = arith.constant 0 : i32
      %scan3A_83 = arith.constant 0 : i32
      %scan3A_84 = arith.constant 26 : i32
      %scan3A_85 = arith.addi %scan3A_83, %scan3A_84 : i32
      %scan3A_86 = arith.constant 1 : i32
      scf.for %scan3A_91 = %scan3A_83 to %scan3A_85 step %scan3A_86  : i32 {
        %mul3A_92 = arith.constant 16 : i32
        %mul3A_93 = arith.muli %scan3A_91, %mul3A_92 : i32
        %get3A = arith.index_cast %mul3A_93 : i32 to index
        %get3A_94 = tpu.vector_load %arg6[%get3A] {strides = array<i32>} : memref<416xi32, #tpu.memory_space<vmem>>, vector<16xi32>,
        %gather3A = tpu.vector_load_idx %arg8[%get3A_94] : memref<392xi32, #tpu.memory_space<vmem>>[vector<16xi32>], vector<16xi32>,
        %mul3A_95 = arith.constant 16 : i32
        %mul3A_96 = arith.muli %scan3A_91, %mul3A_95 : i32
        %swap3A = arith.index_cast %mul3A_96 : i32 to index
        %swap3A_97 = tpu.vector_load %arg10[%swap3A] {strides = array<i32>} : memref<416xi32, #tpu.memory_space<vmem>>, vector<16xi32>,
        tpu.vector_store %arg10[%swap3A], %gather3A {strides = array<i32>} : memref<416xi32, #tpu.memory_space<vmem>>, vector<16xi32>,
      }
      %scan3A_87 = arith.constant 26 : i32
      %dma_start3A_88 = arith.constant 0 : i32
      %dma_start3A_89 = arith.constant 0 : i32
      %dma_start3A_90 = tpu.memref_slice %arg4[%dma_start3A_88, %dma_start3A_89] : memref<1000000x32xf32, #tpu.memory_space<hbm>> -> memref<1000000x32xf32, #tpu.memory_space<hbm>>
      tpu.enqueue_indirect_dma source(%dma_start3A_90 : memref<1000000x32xf32, #tpu.memory_space<hbm>>) target(%arg12 : memref<416x32xf32, #tpu.memory_space<vmem>>) offsets(%arg10 : memref<416xi32, #tpu.memory_space<vmem>>) semaphore(%arg14 : memref<!tpu.dma_semaphore, #tpu.memory_space<semaphore_mem>>)
    }
    %scan3A_32 = arith.constant 31 : i32
    %dma_wait3A = arith.constant 0 : i32
    %dma_wait3A_33 = arith.constant 0 : i32
    %dma_wait3A_34 = tpu.memref_slice %arg4[%dma_wait3A, %dma_wait3A_33] : memref<1000000x32xf32, #tpu.memory_space<hbm>> -> memref<1000000x32xf32, #tpu.memory_space<hbm>>
    tpu.wait_indirect_dma semaphore(%arg13 : memref<!tpu.dma_semaphore, #tpu.memory_space<semaphore_mem>>) src(%dma_wait3A_34 : memref<1000000x32xf32, #tpu.memory_space<hbm>>) dst(%arg11 : memref<416x32xf32, #tpu.memory_space<vmem>>)
    %add3A_35 = arith.constant 62 : i32
    %add3A_36 = arith.addi %mul3A_2, %add3A_35 : i32
    %mul3A_37 = arith.constant 416 : i32
    %mul3A_38 = arith.muli %add3A_36, %mul3A_37 : i32
    "tpu.region"() ({
      %run_scoped3A = tpu.sem_alloc : memref<!tpu.dma_semaphore, #tpu.memory_space<semaphore_mem>>
      %dma_start3A_46 = arith.constant 0 : i32
      %dma_start3A_47 = tpu.memref_slice %arg5[%mul3A_38, %dma_start3A_46] : memref<851968x32xf32, #tpu.memory_space<hbm>> -> memref<416x32xf32, #tpu.memory_space<hbm>>
      %dma_start3A_48 = arith.constant 0 : i32
      %dma_start3A_49 = tpu.memref_slice %arg5[%mul3A_38, %dma_start3A_48] : memref<851968x32xf32, #tpu.memory_space<hbm>> -> memref<416x32xf32, #tpu.memory_space<hbm>>
      tpu.enqueue_dma source(%arg11 : memref<416x32xf32, #tpu.memory_space<vmem>>) target(%dma_start3A_49 : memref<416x32xf32, #tpu.memory_space<hbm>>) target_semaphore(%run_scoped3A : memref<!tpu.dma_semaphore, #tpu.memory_space<semaphore_mem>>)
      %dma_wait3A_50 = arith.constant 0 : i32
      %dma_wait3A_51 = tpu.memref_slice %arg5[%mul3A_38, %dma_wait3A_50] : memref<851968x32xf32, #tpu.memory_space<hbm>> -> memref<416x32xf32, #tpu.memory_space<hbm>>
      %dma_wait3A_52 = arith.constant 0 : i32
      %dma_wait3A_53 = tpu.memref_slice %arg5[%mul3A_38, %dma_wait3A_52] : memref<851968x32xf32, #tpu.memory_space<hbm>> -> memref<416x32xf32, #tpu.memory_space<hbm>>
      tpu.wait_dma2 semaphore(%run_scoped3A : memref<!tpu.dma_semaphore, #tpu.memory_space<semaphore_mem>>) src(%arg11 : memref<416x32xf32, #tpu.memory_space<vmem>>) dst(%dma_wait3A_53 : memref<416x32xf32, #tpu.memory_space<hbm>>)
      tpu.yield
    }) : () -> ()
    %dma_wait3A_39 = arith.constant 0 : i32
    %dma_wait3A_40 = arith.constant 0 : i32
    %dma_wait3A_41 = tpu.memref_slice %arg4[%dma_wait3A_39, %dma_wait3A_40] : memref<1000000x32xf32, #tpu.memory_space<hbm>> -> memref<1000000x32xf32, #tpu.memory_space<hbm>>
    tpu.wait_indirect_dma semaphore(%arg14 : memref<!tpu.dma_semaphore, #tpu.memory_space<semaphore_mem>>) src(%dma_wait3A_41 : memref<1000000x32xf32, #tpu.memory_space<hbm>>) dst(%arg12 : memref<416x32xf32, #tpu.memory_space<vmem>>)
    %add3A_42 = arith.constant 63 : i32
    %add3A_43 = arith.addi %mul3A_2, %add3A_42 : i32
    %mul3A_44 = arith.constant 416 : i32
    %mul3A_45 = arith.muli %add3A_43, %mul3A_44 : i32
    "tpu.region"() ({
      %run_scoped3A = tpu.sem_alloc : memref<!tpu.dma_semaphore, #tpu.memory_space<semaphore_mem>>
      %dma_start3A_46 = arith.constant 0 : i32
      %dma_start3A_47 = tpu.memref_slice %arg5[%mul3A_45, %dma_start3A_46] : memref<851968x32xf32, #tpu.memory_space<hbm>> -> memref<416x32xf32, #tpu.memory_space<hbm>>
      %dma_start3A_48 = arith.constant 0 : i32
      %dma_start3A_49 = tpu.memref_slice %arg5[%mul3A_45, %dma_start3A_48] : memref<851968x32xf32, #tpu.memory_space<hbm>> -> memref<416x32xf32, #tpu.memory_space<hbm>>
      tpu.enqueue_dma source(%arg12 : memref<416x32xf32, #tpu.memory_space<vmem>>) target(%dma_start3A_49 : memref<416x32xf32, #tpu.memory_space<hbm>>) target_semaphore(%run_scoped3A : memref<!tpu.dma_semaphore, #tpu.memory_space<semaphore_mem>>)
      %dma_wait3A_50 = arith.constant 0 : i32
      %dma_wait3A_51 = tpu.memref_slice %arg5[%mul3A_45, %dma_wait3A_50] : memref<851968x32xf32, #tpu.memory_space<hbm>> -> memref<416x32xf32, #tpu.memory_space<hbm>>
      %dma_wait3A_52 = arith.constant 0 : i32
      %dma_wait3A_53 = tpu.memref_slice %arg5[%mul3A_45, %dma_wait3A_52] : memref<851968x32xf32, #tpu.memory_space<hbm>> -> memref<416x32xf32, #tpu.memory_space<hbm>>
      tpu.wait_dma2 semaphore(%run_scoped3A : memref<!tpu.dma_semaphore, #tpu.memory_space<semaphore_mem>>) src(%arg12 : memref<416x32xf32, #tpu.memory_space<vmem>>) dst(%dma_wait3A_53 : memref<416x32xf32, #tpu.memory_space<hbm>>)
      tpu.yield
    }) : () -> ()
    return
  }
}

module attributes {stable_mosaic.version = 14 : i64} {
  func.func @body(%arg0: i32, %arg1: memref<128x13x8x128xf32, #tpu.memory_space<vmem>>, %arg2: memref<13x128x128xf32, #tpu.memory_space<vmem>>, %arg3: memref<1x128xf32, #tpu.memory_space<vmem>>, %arg4: memref<128x10xf32, #tpu.memory_space<vmem>>, %arg5: memref<1x10xf32, #tpu.memory_space<vmem>>, %arg6: memref<1024x10xf32, #tpu.memory_space<vmem>>) attributes {dimension_semantics = [#tpu.dimension_semantics<arbitrary>], iteration_bounds = array<i64: 16>, scalar_prefetch = 0 : i64, scratch_operands = 0 : i64, tpu.core_type = #tpu.core_type<tc>, window_params = [{transform_indices = @transform_0, window_bounds = array<i64: 128, 13, 8, 128>}, {pipeline_mode = #tpu.pipeline_mode<synchronous>, transform_indices = @transform_1, window_bounds = array<i64: 13, 128, 128>}, {pipeline_mode = #tpu.pipeline_mode<synchronous>, transform_indices = @transform_2, window_bounds = array<i64: 1, 128>}, {pipeline_mode = #tpu.pipeline_mode<synchronous>, transform_indices = @transform_3, window_bounds = array<i64: 128, 10>}, {pipeline_mode = #tpu.pipeline_mode<synchronous>, transform_indices = @transform_4, window_bounds = array<i64: 1, 10>}, {transform_indices = @transform_5, window_bounds = array<i64: 1024, 10>}]} {
    %get3A = arith.constant 0 : index
    %get3A_0 = arith.constant 0 : index
    %get3A_1 = arith.constant 0 : index
    %get3A_2 = arith.constant 0 : index
    %get3A_3 = vector.load %arg1[%get3A, %get3A_0, %get3A_1, %get3A_2] : memref<128x13x8x128xf32, #tpu.memory_space<vmem>>, vector<128x1x8x128xf32>
    %get3A_4 = vector.shape_cast %get3A_3 : vector<128x1x8x128xf32> to vector<128x8x128xf32>
    %reshape3A = vector.shape_cast %get3A_4 : vector<128x8x128xf32> to vector<1024x128xf32>
    %get3A_5 = arith.constant 0 : index
    %get3A_6 = arith.constant 0 : index
    %get3A_7 = arith.constant 0 : index
    %get3A_8 = vector.load %arg2[%get3A_5, %get3A_6, %get3A_7] : memref<13x128x128xf32, #tpu.memory_space<vmem>>, vector<1x128x128xf32>
    %get3A_9 = vector.shape_cast %get3A_8 : vector<1x128x128xf32> to vector<128x128xf32>
    %dot_general3A = arith.constant dense<0.000000e+00> : vector<1024x128xf32>
    %dot_general3A_10 = tpu.matmul %reshape3A, %get3A_9, %dot_general3A {dimension_numbers = #tpu.dot_dimension_numbers<[1], [0], [0], [1], [0, 0, 1, 1], [], []>, transpose_lhs_hint = false} : vector<1024x128xf32>, vector<128x128xf32>, vector<1024x128xf32> -> vector<1024x128xf32>
    %get3A_11 = arith.constant 0 : index
    %get3A_12 = arith.constant 1 : index
    %get3A_13 = arith.constant 0 : index
    %get3A_14 = arith.constant 0 : index
    %get3A_15 = vector.load %arg1[%get3A_11, %get3A_12, %get3A_13, %get3A_14] : memref<128x13x8x128xf32, #tpu.memory_space<vmem>>, vector<128x1x8x128xf32>
    %get3A_16 = vector.shape_cast %get3A_15 : vector<128x1x8x128xf32> to vector<128x8x128xf32>
    %reshape3A_17 = vector.shape_cast %get3A_16 : vector<128x8x128xf32> to vector<1024x128xf32>
    %get3A_18 = arith.constant 1 : index
    %get3A_19 = arith.constant 0 : index
    %get3A_20 = arith.constant 0 : index
    %get3A_21 = vector.load %arg2[%get3A_18, %get3A_19, %get3A_20] : memref<13x128x128xf32, #tpu.memory_space<vmem>>, vector<1x128x128xf32>
    %get3A_22 = vector.shape_cast %get3A_21 : vector<1x128x128xf32> to vector<128x128xf32>
    %dot_general3A_23 = arith.constant dense<0.000000e+00> : vector<1024x128xf32>
    %dot_general3A_24 = tpu.matmul %reshape3A_17, %get3A_22, %dot_general3A_23 {dimension_numbers = #tpu.dot_dimension_numbers<[1], [0], [0], [1], [0, 0, 1, 1], [], []>, transpose_lhs_hint = false} : vector<1024x128xf32>, vector<128x128xf32>, vector<1024x128xf32> -> vector<1024x128xf32>
    %add3A = arith.addf %dot_general3A_10, %dot_general3A_24 : vector<1024x128xf32>
    %get3A_25 = arith.constant 0 : index
    %get3A_26 = arith.constant 2 : index
    %get3A_27 = arith.constant 0 : index
    %get3A_28 = arith.constant 0 : index
    %get3A_29 = vector.load %arg1[%get3A_25, %get3A_26, %get3A_27, %get3A_28] : memref<128x13x8x128xf32, #tpu.memory_space<vmem>>, vector<128x1x8x128xf32>
    %get3A_30 = vector.shape_cast %get3A_29 : vector<128x1x8x128xf32> to vector<128x8x128xf32>
    %reshape3A_31 = vector.shape_cast %get3A_30 : vector<128x8x128xf32> to vector<1024x128xf32>
    %get3A_32 = arith.constant 2 : index
    %get3A_33 = arith.constant 0 : index
    %get3A_34 = arith.constant 0 : index
    %get3A_35 = vector.load %arg2[%get3A_32, %get3A_33, %get3A_34] : memref<13x128x128xf32, #tpu.memory_space<vmem>>, vector<1x128x128xf32>
    %get3A_36 = vector.shape_cast %get3A_35 : vector<1x128x128xf32> to vector<128x128xf32>
    %dot_general3A_37 = arith.constant dense<0.000000e+00> : vector<1024x128xf32>
    %dot_general3A_38 = tpu.matmul %reshape3A_31, %get3A_36, %dot_general3A_37 {dimension_numbers = #tpu.dot_dimension_numbers<[1], [0], [0], [1], [0, 0, 1, 1], [], []>, transpose_lhs_hint = false} : vector<1024x128xf32>, vector<128x128xf32>, vector<1024x128xf32> -> vector<1024x128xf32>
    %add3A_39 = arith.addf %add3A, %dot_general3A_38 : vector<1024x128xf32>
    %get3A_40 = arith.constant 0 : index
    %get3A_41 = arith.constant 3 : index
    %get3A_42 = arith.constant 0 : index
    %get3A_43 = arith.constant 0 : index
    %get3A_44 = vector.load %arg1[%get3A_40, %get3A_41, %get3A_42, %get3A_43] : memref<128x13x8x128xf32, #tpu.memory_space<vmem>>, vector<128x1x8x128xf32>
    %get3A_45 = vector.shape_cast %get3A_44 : vector<128x1x8x128xf32> to vector<128x8x128xf32>
    %reshape3A_46 = vector.shape_cast %get3A_45 : vector<128x8x128xf32> to vector<1024x128xf32>
    %get3A_47 = arith.constant 3 : index
    %get3A_48 = arith.constant 0 : index
    %get3A_49 = arith.constant 0 : index
    %get3A_50 = vector.load %arg2[%get3A_47, %get3A_48, %get3A_49] : memref<13x128x128xf32, #tpu.memory_space<vmem>>, vector<1x128x128xf32>
    %get3A_51 = vector.shape_cast %get3A_50 : vector<1x128x128xf32> to vector<128x128xf32>
    %dot_general3A_52 = arith.constant dense<0.000000e+00> : vector<1024x128xf32>
    %dot_general3A_53 = tpu.matmul %reshape3A_46, %get3A_51, %dot_general3A_52 {dimension_numbers = #tpu.dot_dimension_numbers<[1], [0], [0], [1], [0, 0, 1, 1], [], []>, transpose_lhs_hint = false} : vector<1024x128xf32>, vector<128x128xf32>, vector<1024x128xf32> -> vector<1024x128xf32>
    %add3A_54 = arith.addf %add3A_39, %dot_general3A_53 : vector<1024x128xf32>
    %get3A_55 = arith.constant 0 : index
    %get3A_56 = arith.constant 4 : index
    %get3A_57 = arith.constant 0 : index
    %get3A_58 = arith.constant 0 : index
    %get3A_59 = vector.load %arg1[%get3A_55, %get3A_56, %get3A_57, %get3A_58] : memref<128x13x8x128xf32, #tpu.memory_space<vmem>>, vector<128x1x8x128xf32>
    %get3A_60 = vector.shape_cast %get3A_59 : vector<128x1x8x128xf32> to vector<128x8x128xf32>
    %reshape3A_61 = vector.shape_cast %get3A_60 : vector<128x8x128xf32> to vector<1024x128xf32>
    %get3A_62 = arith.constant 4 : index
    %get3A_63 = arith.constant 0 : index
    %get3A_64 = arith.constant 0 : index
    %get3A_65 = vector.load %arg2[%get3A_62, %get3A_63, %get3A_64] : memref<13x128x128xf32, #tpu.memory_space<vmem>>, vector<1x128x128xf32>
    %get3A_66 = vector.shape_cast %get3A_65 : vector<1x128x128xf32> to vector<128x128xf32>
    %dot_general3A_67 = arith.constant dense<0.000000e+00> : vector<1024x128xf32>
    %dot_general3A_68 = tpu.matmul %reshape3A_61, %get3A_66, %dot_general3A_67 {dimension_numbers = #tpu.dot_dimension_numbers<[1], [0], [0], [1], [0, 0, 1, 1], [], []>, transpose_lhs_hint = false} : vector<1024x128xf32>, vector<128x128xf32>, vector<1024x128xf32> -> vector<1024x128xf32>
    %add3A_69 = arith.addf %add3A_54, %dot_general3A_68 : vector<1024x128xf32>
    %get3A_70 = arith.constant 0 : index
    %get3A_71 = arith.constant 5 : index
    %get3A_72 = arith.constant 0 : index
    %get3A_73 = arith.constant 0 : index
    %get3A_74 = vector.load %arg1[%get3A_70, %get3A_71, %get3A_72, %get3A_73] : memref<128x13x8x128xf32, #tpu.memory_space<vmem>>, vector<128x1x8x128xf32>
    %get3A_75 = vector.shape_cast %get3A_74 : vector<128x1x8x128xf32> to vector<128x8x128xf32>
    %reshape3A_76 = vector.shape_cast %get3A_75 : vector<128x8x128xf32> to vector<1024x128xf32>
    %get3A_77 = arith.constant 5 : index
    %get3A_78 = arith.constant 0 : index
    %get3A_79 = arith.constant 0 : index
    %get3A_80 = vector.load %arg2[%get3A_77, %get3A_78, %get3A_79] : memref<13x128x128xf32, #tpu.memory_space<vmem>>, vector<1x128x128xf32>
    %get3A_81 = vector.shape_cast %get3A_80 : vector<1x128x128xf32> to vector<128x128xf32>
    %dot_general3A_82 = arith.constant dense<0.000000e+00> : vector<1024x128xf32>
    %dot_general3A_83 = tpu.matmul %reshape3A_76, %get3A_81, %dot_general3A_82 {dimension_numbers = #tpu.dot_dimension_numbers<[1], [0], [0], [1], [0, 0, 1, 1], [], []>, transpose_lhs_hint = false} : vector<1024x128xf32>, vector<128x128xf32>, vector<1024x128xf32> -> vector<1024x128xf32>
    %add3A_84 = arith.addf %add3A_69, %dot_general3A_83 : vector<1024x128xf32>
    %get3A_85 = arith.constant 0 : index
    %get3A_86 = arith.constant 6 : index
    %get3A_87 = arith.constant 0 : index
    %get3A_88 = arith.constant 0 : index
    %get3A_89 = vector.load %arg1[%get3A_85, %get3A_86, %get3A_87, %get3A_88] : memref<128x13x8x128xf32, #tpu.memory_space<vmem>>, vector<128x1x8x128xf32>
    %get3A_90 = vector.shape_cast %get3A_89 : vector<128x1x8x128xf32> to vector<128x8x128xf32>
    %reshape3A_91 = vector.shape_cast %get3A_90 : vector<128x8x128xf32> to vector<1024x128xf32>
    %get3A_92 = arith.constant 6 : index
    %get3A_93 = arith.constant 0 : index
    %get3A_94 = arith.constant 0 : index
    %get3A_95 = vector.load %arg2[%get3A_92, %get3A_93, %get3A_94] : memref<13x128x128xf32, #tpu.memory_space<vmem>>, vector<1x128x128xf32>
    %get3A_96 = vector.shape_cast %get3A_95 : vector<1x128x128xf32> to vector<128x128xf32>
    %dot_general3A_97 = arith.constant dense<0.000000e+00> : vector<1024x128xf32>
    %dot_general3A_98 = tpu.matmul %reshape3A_91, %get3A_96, %dot_general3A_97 {dimension_numbers = #tpu.dot_dimension_numbers<[1], [0], [0], [1], [0, 0, 1, 1], [], []>, transpose_lhs_hint = false} : vector<1024x128xf32>, vector<128x128xf32>, vector<1024x128xf32> -> vector<1024x128xf32>
    %add3A_99 = arith.addf %add3A_84, %dot_general3A_98 : vector<1024x128xf32>
    %get3A_100 = arith.constant 0 : index
    %get3A_101 = arith.constant 7 : index
    %get3A_102 = arith.constant 0 : index
    %get3A_103 = arith.constant 0 : index
    %get3A_104 = vector.load %arg1[%get3A_100, %get3A_101, %get3A_102, %get3A_103] : memref<128x13x8x128xf32, #tpu.memory_space<vmem>>, vector<128x1x8x128xf32>
    %get3A_105 = vector.shape_cast %get3A_104 : vector<128x1x8x128xf32> to vector<128x8x128xf32>
    %reshape3A_106 = vector.shape_cast %get3A_105 : vector<128x8x128xf32> to vector<1024x128xf32>
    %get3A_107 = arith.constant 7 : index
    %get3A_108 = arith.constant 0 : index
    %get3A_109 = arith.constant 0 : index
    %get3A_110 = vector.load %arg2[%get3A_107, %get3A_108, %get3A_109] : memref<13x128x128xf32, #tpu.memory_space<vmem>>, vector<1x128x128xf32>
    %get3A_111 = vector.shape_cast %get3A_110 : vector<1x128x128xf32> to vector<128x128xf32>
    %dot_general3A_112 = arith.constant dense<0.000000e+00> : vector<1024x128xf32>
    %dot_general3A_113 = tpu.matmul %reshape3A_106, %get3A_111, %dot_general3A_112 {dimension_numbers = #tpu.dot_dimension_numbers<[1], [0], [0], [1], [0, 0, 1, 1], [], []>, transpose_lhs_hint = false} : vector<1024x128xf32>, vector<128x128xf32>, vector<1024x128xf32> -> vector<1024x128xf32>
    %add3A_114 = arith.addf %add3A_99, %dot_general3A_113 : vector<1024x128xf32>
    %get3A_115 = arith.constant 0 : index
    %get3A_116 = arith.constant 8 : index
    %get3A_117 = arith.constant 0 : index
    %get3A_118 = arith.constant 0 : index
    %get3A_119 = vector.load %arg1[%get3A_115, %get3A_116, %get3A_117, %get3A_118] : memref<128x13x8x128xf32, #tpu.memory_space<vmem>>, vector<128x1x8x128xf32>
    %get3A_120 = vector.shape_cast %get3A_119 : vector<128x1x8x128xf32> to vector<128x8x128xf32>
    %reshape3A_121 = vector.shape_cast %get3A_120 : vector<128x8x128xf32> to vector<1024x128xf32>
    %get3A_122 = arith.constant 8 : index
    %get3A_123 = arith.constant 0 : index
    %get3A_124 = arith.constant 0 : index
    %get3A_125 = vector.load %arg2[%get3A_122, %get3A_123, %get3A_124] : memref<13x128x128xf32, #tpu.memory_space<vmem>>, vector<1x128x128xf32>
    %get3A_126 = vector.shape_cast %get3A_125 : vector<1x128x128xf32> to vector<128x128xf32>
    %dot_general3A_127 = arith.constant dense<0.000000e+00> : vector<1024x128xf32>
    %dot_general3A_128 = tpu.matmul %reshape3A_121, %get3A_126, %dot_general3A_127 {dimension_numbers = #tpu.dot_dimension_numbers<[1], [0], [0], [1], [0, 0, 1, 1], [], []>, transpose_lhs_hint = false} : vector<1024x128xf32>, vector<128x128xf32>, vector<1024x128xf32> -> vector<1024x128xf32>
    %add3A_129 = arith.addf %add3A_114, %dot_general3A_128 : vector<1024x128xf32>
    %get3A_130 = arith.constant 0 : index
    %get3A_131 = arith.constant 9 : index
    %get3A_132 = arith.constant 0 : index
    %get3A_133 = arith.constant 0 : index
    %get3A_134 = vector.load %arg1[%get3A_130, %get3A_131, %get3A_132, %get3A_133] : memref<128x13x8x128xf32, #tpu.memory_space<vmem>>, vector<128x1x8x128xf32>
    %get3A_135 = vector.shape_cast %get3A_134 : vector<128x1x8x128xf32> to vector<128x8x128xf32>
    %reshape3A_136 = vector.shape_cast %get3A_135 : vector<128x8x128xf32> to vector<1024x128xf32>
    %get3A_137 = arith.constant 9 : index
    %get3A_138 = arith.constant 0 : index
    %get3A_139 = arith.constant 0 : index
    %get3A_140 = vector.load %arg2[%get3A_137, %get3A_138, %get3A_139] : memref<13x128x128xf32, #tpu.memory_space<vmem>>, vector<1x128x128xf32>
    %get3A_141 = vector.shape_cast %get3A_140 : vector<1x128x128xf32> to vector<128x128xf32>
    %dot_general3A_142 = arith.constant dense<0.000000e+00> : vector<1024x128xf32>
    %dot_general3A_143 = tpu.matmul %reshape3A_136, %get3A_141, %dot_general3A_142 {dimension_numbers = #tpu.dot_dimension_numbers<[1], [0], [0], [1], [0, 0, 1, 1], [], []>, transpose_lhs_hint = false} : vector<1024x128xf32>, vector<128x128xf32>, vector<1024x128xf32> -> vector<1024x128xf32>
    %add3A_144 = arith.addf %add3A_129, %dot_general3A_143 : vector<1024x128xf32>
    %get3A_145 = arith.constant 0 : index
    %get3A_146 = arith.constant 10 : index
    %get3A_147 = arith.constant 0 : index
    %get3A_148 = arith.constant 0 : index
    %get3A_149 = vector.load %arg1[%get3A_145, %get3A_146, %get3A_147, %get3A_148] : memref<128x13x8x128xf32, #tpu.memory_space<vmem>>, vector<128x1x8x128xf32>
    %get3A_150 = vector.shape_cast %get3A_149 : vector<128x1x8x128xf32> to vector<128x8x128xf32>
    %reshape3A_151 = vector.shape_cast %get3A_150 : vector<128x8x128xf32> to vector<1024x128xf32>
    %get3A_152 = arith.constant 10 : index
    %get3A_153 = arith.constant 0 : index
    %get3A_154 = arith.constant 0 : index
    %get3A_155 = vector.load %arg2[%get3A_152, %get3A_153, %get3A_154] : memref<13x128x128xf32, #tpu.memory_space<vmem>>, vector<1x128x128xf32>
    %get3A_156 = vector.shape_cast %get3A_155 : vector<1x128x128xf32> to vector<128x128xf32>
    %dot_general3A_157 = arith.constant dense<0.000000e+00> : vector<1024x128xf32>
    %dot_general3A_158 = tpu.matmul %reshape3A_151, %get3A_156, %dot_general3A_157 {dimension_numbers = #tpu.dot_dimension_numbers<[1], [0], [0], [1], [0, 0, 1, 1], [], []>, transpose_lhs_hint = false} : vector<1024x128xf32>, vector<128x128xf32>, vector<1024x128xf32> -> vector<1024x128xf32>
    %add3A_159 = arith.addf %add3A_144, %dot_general3A_158 : vector<1024x128xf32>
    %get3A_160 = arith.constant 0 : index
    %get3A_161 = arith.constant 11 : index
    %get3A_162 = arith.constant 0 : index
    %get3A_163 = arith.constant 0 : index
    %get3A_164 = vector.load %arg1[%get3A_160, %get3A_161, %get3A_162, %get3A_163] : memref<128x13x8x128xf32, #tpu.memory_space<vmem>>, vector<128x1x8x128xf32>
    %get3A_165 = vector.shape_cast %get3A_164 : vector<128x1x8x128xf32> to vector<128x8x128xf32>
    %reshape3A_166 = vector.shape_cast %get3A_165 : vector<128x8x128xf32> to vector<1024x128xf32>
    %get3A_167 = arith.constant 11 : index
    %get3A_168 = arith.constant 0 : index
    %get3A_169 = arith.constant 0 : index
    %get3A_170 = vector.load %arg2[%get3A_167, %get3A_168, %get3A_169] : memref<13x128x128xf32, #tpu.memory_space<vmem>>, vector<1x128x128xf32>
    %get3A_171 = vector.shape_cast %get3A_170 : vector<1x128x128xf32> to vector<128x128xf32>
    %dot_general3A_172 = arith.constant dense<0.000000e+00> : vector<1024x128xf32>
    %dot_general3A_173 = tpu.matmul %reshape3A_166, %get3A_171, %dot_general3A_172 {dimension_numbers = #tpu.dot_dimension_numbers<[1], [0], [0], [1], [0, 0, 1, 1], [], []>, transpose_lhs_hint = false} : vector<1024x128xf32>, vector<128x128xf32>, vector<1024x128xf32> -> vector<1024x128xf32>
    %add3A_174 = arith.addf %add3A_159, %dot_general3A_173 : vector<1024x128xf32>
    %get3A_175 = arith.constant 0 : index
    %get3A_176 = arith.constant 12 : index
    %get3A_177 = arith.constant 0 : index
    %get3A_178 = arith.constant 0 : index
    %get3A_179 = vector.load %arg1[%get3A_175, %get3A_176, %get3A_177, %get3A_178] : memref<128x13x8x128xf32, #tpu.memory_space<vmem>>, vector<128x1x8x128xf32>
    %get3A_180 = vector.shape_cast %get3A_179 : vector<128x1x8x128xf32> to vector<128x8x128xf32>
    %reshape3A_181 = vector.shape_cast %get3A_180 : vector<128x8x128xf32> to vector<1024x128xf32>
    %get3A_182 = arith.constant 12 : index
    %get3A_183 = arith.constant 0 : index
    %get3A_184 = arith.constant 0 : index
    %get3A_185 = vector.load %arg2[%get3A_182, %get3A_183, %get3A_184] : memref<13x128x128xf32, #tpu.memory_space<vmem>>, vector<1x128x128xf32>
    %get3A_186 = vector.shape_cast %get3A_185 : vector<1x128x128xf32> to vector<128x128xf32>
    %dot_general3A_187 = arith.constant dense<0.000000e+00> : vector<1024x128xf32>
    %dot_general3A_188 = tpu.matmul %reshape3A_181, %get3A_186, %dot_general3A_187 {dimension_numbers = #tpu.dot_dimension_numbers<[1], [0], [0], [1], [0, 0, 1, 1], [], []>, transpose_lhs_hint = false} : vector<1024x128xf32>, vector<128x128xf32>, vector<1024x128xf32> -> vector<1024x128xf32>
    %add3A_189 = arith.addf %add3A_174, %dot_general3A_188 : vector<1024x128xf32>
    %get3A_190 = arith.constant 0 : index
    %get3A_191 = arith.constant 0 : index
    %get3A_192 = vector.load %arg3[%get3A_190, %get3A_191] : memref<1x128xf32, #tpu.memory_space<vmem>>, vector<1x128xf32>
    %add3A_193 = vector.broadcast %get3A_192 : vector<1x128xf32> to vector<1024x128xf32>
    %add3A_194 = arith.addf %add3A_189, %add3A_193 : vector<1024x128xf32>
    %max3A = arith.constant 0.000000e+00 : f32
    %max3A_195 = vector.broadcast %max3A : f32 to vector<1024x128xf32>
    %max3A_196 = arith.maximumf %add3A_194, %max3A_195 : vector<1024x128xf32>
    %get3A_197 = arith.constant 0 : index
    %get3A_198 = arith.constant 0 : index
    %get3A_199 = vector.load %arg4[%get3A_197, %get3A_198] : memref<128x10xf32, #tpu.memory_space<vmem>>, vector<128x10xf32>
    %dot_general3A_200 = arith.constant dense<0.000000e+00> : vector<1024x10xf32>
    %dot_general3A_201 = tpu.matmul %max3A_196, %get3A_199, %dot_general3A_200 {dimension_numbers = #tpu.dot_dimension_numbers<[1], [0], [0], [1], [0, 0, 1, 1], [], []>, transpose_lhs_hint = false} : vector<1024x128xf32>, vector<128x10xf32>, vector<1024x10xf32> -> vector<1024x10xf32>
    %get3A_202 = arith.constant 0 : index
    %get3A_203 = arith.constant 0 : index
    %get3A_204 = vector.load %arg5[%get3A_202, %get3A_203] : memref<1x10xf32, #tpu.memory_space<vmem>>, vector<1x10xf32>
    %add3A_205 = vector.broadcast %get3A_204 : vector<1x10xf32> to vector<1024x10xf32>
    %add3A_206 = arith.addf %dot_general3A_201, %add3A_205 : vector<1024x10xf32>
    %swap3A = arith.constant 0 : index
    %swap3A_207 = arith.constant 0 : index
    %swap3A_208 = vector.load %arg6[%swap3A, %swap3A_207] : memref<1024x10xf32, #tpu.memory_space<vmem>>, vector<1024x10xf32>
    tpu.vector_store %arg6[%swap3A, %swap3A_207], %add3A_206 {strides = array<i32>} : memref<1024x10xf32, #tpu.memory_space<vmem>>, vector<1024x10xf32>,
    return
  }
  func.func @transform_0(%arg0: i32) -> (i32, i32, i32, i32) {
    %c0_i32 = arith.constant 0 : i32
    %c0_i32_0 = arith.constant 0 : i32
    %c0_i32_1 = arith.constant 0 : i32
    %c0_i32_2 = arith.constant 0 : i32
    return %arg0, %c0_i32, %c0_i32_0, %c0_i32_1 : i32, i32, i32, i32
  }
  func.func @transform_1(%arg0: i32) -> (i32, i32, i32) {
    %c0_i32 = arith.constant 0 : i32
    %c0_i32_0 = arith.constant 0 : i32
    %c0_i32_1 = arith.constant 0 : i32
    %c0_i32_2 = arith.constant 0 : i32
    return %c0_i32, %c0_i32_0, %c0_i32_1 : i32, i32, i32
  }
  func.func @transform_2(%arg0: i32) -> (i32, i32) {
    %c0_i32 = arith.constant 0 : i32
    %c0_i32_0 = arith.constant 0 : i32
    %c0_i32_1 = arith.constant 0 : i32
    return %c0_i32, %c0_i32_0 : i32, i32
  }
  func.func @transform_3(%arg0: i32) -> (i32, i32) {
    %c0_i32 = arith.constant 0 : i32
    %c0_i32_0 = arith.constant 0 : i32
    %c0_i32_1 = arith.constant 0 : i32
    return %c0_i32, %c0_i32_0 : i32, i32
  }
  func.func @transform_4(%arg0: i32) -> (i32, i32) {
    %c0_i32 = arith.constant 0 : i32
    %c0_i32_0 = arith.constant 0 : i32
    %c0_i32_1 = arith.constant 0 : i32
    return %c0_i32, %c0_i32_0 : i32, i32
  }
  func.func @transform_5(%arg0: i32) -> (i32, i32) {
    %c0_i32 = arith.constant 0 : i32
    %c0_i32_0 = arith.constant 0 : i32
    return %arg0, %c0_i32 : i32, i32
  }
}

</mosaic_0001>

<sc_bundles>
// kernel: kernel.4.cloned.1.call-start
scs
__scs_entry_jumppad:
0x0: {  	(pc) =	sbr.rel $0x88, $3  }
0x1: {  	(tag) =	ssettag $0x0;
	lr =	simm.s32 $0x1  }
0x2: {  	[smem:$0x3F9B] =	sst lr;
	_ =	strace $0xD0000000  }
0x3: {  	_ = 	snop  }
0x4: {  	_ = 	snop  }
0x5: {  	_ = 	snop  }
0x6: {  	_ = 	snop  }
0x7: {  	_ = 	snop  }
__scs_overlays_trampoline_lowered:
0x8: {  	[smem:$0x3FAA] =	sst s0  }
0x9: {  	[smem:$0x3FAB] =	sst s1  }
0xa: {  	[smem:$0x3FAC] =	sst s2  }
0xb: {  	[smem:$0x3FAD] =	sst s3  }
0xc: {  	[smem:$0x3FAE] =	sst s4  }
0xd: {  	[smem:$0x3FAF] =	sst s5  }
0xe: {  	[smem:$0x3FB0] =	sst s6  }
0xf: {  	[smem:$0x3FB1] =	sst s7  }
0x10: {  	[smem:$0x3FB2] =	sst s8  }
0x11: {  	[smem:$0x3FB3] =	sst s9;
	s0 =	simm.s32 @!p0 $0x0  }
0x12: {  	s1 =	sld [smem:$0x3F99];
	s0 =	simm.s32 @p0 $0x1  }
0x13: {  	[smem:$0x3FB4] =	sst s0;
	s0 =	simm.s32 @!p1 $0x0  }
0x14: {  	s2 =	sld [smem:$0x3F98];
	s0 =	simm.s32 @p1 $0x1  }
0x15: {  	[smem:$0x3FB5] =	sst s0;
	s0 =	simm.s32 @!p2 $0x0  }
0x16: {  	s3 =	sld [smem:$0x3FDB];
	s0 =	simm.s32 @p2 $0x1  }
0x17: {  	s4 =	simm.s32 $0x1BF5;
	[smem:$0x3FB7] =	sst s0  }
0x18: {  	s0 =	sld [smem:$0x3F9A];
	_ =	swait.ge [sflag:s4], $0x0  }
0x19: {  	s7 =	sld [smem:$0x3F9B]  }
0x1a: {  	s8 =	sadd.s32 $0xFFFFE003, lr  }
0x1b: {  	s9 =	sadd.s32 $0xFFFFFEF7, lr;
	s5 =	simm.s32 $0xFFFFFFFF;
	p2 =	slt.u32 s8, $0xFFFFF086  }
0x1c: {  	p1 =	slt.u32 s9, $0xF7A;
	s5 =	simm.s32 @!p2 $0x0  }
0x1d: {  	s5 =	simm.s32 @p1 $0x1;
	p0 =	seq.s32 s7, s2  }
0x1e: {  	s7 =	smul.u32 @!p0 $0xF7A, s2;
	p2 =	seq.s32 @!p0 s5, $0x0  }
0x1f: {  	s9 =	smul.u32 $0xF7A, s1;
	s8 =	simm.s32 @!p0 $0x1BF5;
	p2 =	por !p2, p0  }
0x20: {  	[sflag:s8] =	ssyncset.s32 @!p0 $0xFFFFF086;
	s6 =	sadd.s32 @!p0 s3, s7;
	s7 =	simm.s32 @!p0 $0x108  }
0x21: {  	s3 =	sadd.s32 s3, s9;
	s6 =	sadd.s32 @!p0 $0x88, s6;
	s7 =	simm.s32 @p2 $0x1082  }
0x22: {  	[simem:s7], [sflag:s8] =	dma.local @!p0 [hbm:s6], $0xF7A  }
0x23: {  	s9 =	sor.u32 $0xD0000000, s2;
	s6 =	simm.s32 $0x108;
	_ =	swait.ge @!p0 [sflag:s8], $0x0  }
0x24: {  	s3 =	sadd.s32 $0x88, s3;
	s6 =	simm.s32 @!p1 $0x1082;
	[sflag:s4] =	ssyncset.s32 $0xFFFFF086  }
0x25: {  	[simem:s6], [sflag:s4] =	dma.local [hbm:s3], $0xF7A  }
0x26: {  	[smem:$0x3F9B] =	sst s1;
	(tag) =	ssettag s2;
	_ =	strace s9  }
0x27: {  	s1 =	sld [smem:$0x3FAB]  }
0x28: {  	s2 =	sld [smem:$0x3FAC]  }
0x29: {  	s4 =	sld [smem:$0x3FAE]  }
0x2a: {  	p0 =	seq.s32 s5, $0x0;
	s5 =	sld [smem:$0x3FAF]  }
0x2b: {  	s6 =	sld [smem:$0x3FB0]  }
0x2c: {  	s7 =	sld [smem:$0x3FB1]  }
0x2d: {  	s3 =	simm.s32 $0x108;
	s8 =	sld [smem:$0x3FB2]  }
0x2e: {  	s3 =	simm.s32 @!p0 $0x1082;
	s9 =	sld [smem:$0x3FB3]  }
0x2f: {  	lr =	sadd.s32 s0, s3;
	s0 =	sld [smem:$0x3FAA]  }
0x30: {  	s3 =	sld [smem:$0x3FAD]  }
0x31: {  	[smem:$0x3FB6] =	sst s10  }
0x32: {  	s10 =	sld [smem:$0x3FB4];
	_ =	sdelay $0x3  }
0x33: {  	p0 =	seq.s32 s10, $0x1;
	s10 =	sld [smem:$0x3FB6];
	_ =	sdelay $0x3  }
0x34: {  	[smem:$0x3FB6] =	sst s10  }
0x35: {  	s10 =	sld [smem:$0x3FB5];
	_ =	sdelay $0x3  }
0x36: {  	p1 =	seq.s32 s10, $0x1;
	s10 =	sld [smem:$0x3FB6];
	_ =	sdelay $0x3  }
0x37: {  	[smem:$0x3FB6] =	sst s10  }
0x38: {  	s10 =	sld [smem:$0x3FB7]  }
0x39: {  	_ = 	snop;
	(pc) =	sbr.ind lr, $3  }
0x3a: {  	_ = 	snop  }
0x3b: {  	_ = 	snop  }
0x3c: {  	p2 =	seq.s32 s10, $0x1;
	s10 =	sld [smem:$0x3FB6]  }
0x3d: {  	_ =	shalt  }
0x3e: {  	_ =	shalt  }
0x3f: {  	_ =	shalt  }
0x40: {  	_ =	shalt  }
0x41: {  	_ =	shalt  }
0x42: {  	_ =	shalt  }
0x43: {  	_ =	shalt  }
0x44: {  	_ =	shalt  }
0x45: {  	_ =	shalt  }
0x46: {  	_ =	shalt  }
0x47: {  	_ =	shalt  }
0x48: {  	_ =	shalt  }
0x49: {  	_ =	shalt  }
0x4a: {  	_ =	shalt  }
0x4b: {  	_ =	shalt  }
0x4c: {  	_ =	shalt  }
0x4d: {  	_ =	shalt  }
0x4e: {  	_ =	shalt  }
0x4f: {  	_ =	shalt  }
0x50: {  	_ =	shalt  }
0x51: {  	_ =	shalt  }
0x52: {  	_ =	shalt  }
0x53: {  	_ =	shalt  }
0x54: {  	_ =	shalt  }
0x55: {  	_ =	shalt  }
0x56: {  	_ =	shalt  }
0x57: {  	_ =	shalt  }
0x58: {  	_ =	shalt  }
0x59: {  	_ =	shalt  }
0x5a: {  	_ =	shalt  }
0x5b: {  	_ =	shalt  }
0x5c: {  	_ =	shalt  }
0x5d: {  	_ =	shalt  }
0x5e: {  	_ =	shalt  }
0x5f: {  	_ =	shalt  }
0x60: {  	_ =	shalt  }
0x61: {  	_ =	shalt  }
0x62: {  	_ =	shalt  }
0x63: {  	_ =	shalt  }
0x64: {  	_ =	shalt  }
0x65: {  	_ =	shalt  }
0x66: {  	_ =	shalt  }
0x67: {  	_ =	shalt  }
0x68: {  	_ =	shalt  }
0x69: {  	_ =	shalt  }
0x6a: {  	_ =	shalt  }
0x6b: {  	_ =	shalt  }
0x6c: {  	_ =	shalt  }
0x6d: {  	_ =	shalt  }
0x6e: {  	_ =	shalt  }
0x6f: {  	_ =	shalt  }
0x70: {  	_ =	shalt  }
0x71: {  	_ =	shalt  }
0x72: {  	_ =	shalt  }
0x73: {  	_ =	shalt  }
0x74: {  	_ =	shalt  }
0x75: {  	_ =	shalt  }
0x76: {  	_ =	shalt  }
0x77: {  	_ =	shalt  }
0x78: {  	_ =	shalt  }
0x79: {  	_ =	shalt  }
0x7a: {  	_ =	shalt  }
0x7b: {  	_ =	shalt  }
0x7c: {  	_ =	shalt  }
0x7d: {  	_ =	shalt  }
0x7e: {  	_ =	shalt  }
0x7f: {  	_ =	shalt  }
0x80: {  	_ =	shalt  }
0x81: {  	_ =	shalt  }
0x82: {  	_ =	shalt  }
0x83: {  	_ =	shalt  }
0x84: {  	_ =	shalt  }
0x85: {  	_ =	shalt  }
0x86: {  	_ =	shalt  }
0x87: {  	_ =	shalt  }
.Lfunc_end0:
.L_simem_size_0:
called_computation_lowered:
.L_overlay_start_0:
0x88: {  	s2 =	sld [smem:$0x3FD9]  }
0x89: {  	s3 =	sld [smem:$0x3FFE];
	_ =	sdelay $0x1  }
0x8a: {  	s1 =	srdreg.scid  }
0x8b: {  	s0 =	sand.u32 $0x1, s1  }
0x8c: {  	s17 =	sshll.u32 s0, $0xA;
	s2 =	sadd.s32 s3, s2  }
0x8d: {  	s2 =	sadd.s32 s2, s17  }
0x8e: {  	[smem:$0x3FC2] =	sst s2  }
0x8f: {  	_ = 	snop  }
0x90: {  	s2 =	sld [smem:$0x3FD0];
	(tm) =	ssettm $0x1  }
0x91: {  	s18 =	sld [smem:$0x3FFB];
	_ =	sdelay $0x3  }
0x92: {  	_ =	strace s18  }
0x93: {  	s3 =	sld [smem:$0x3FFC];
	_ =	sdelay $0x3  }
0x94: {  	_ =	strace s3  }
0x95: {  	s3 =	sld [smem:$0x3FFD];
	_ =	sdelay $0x3  }
0x96: {  	_ =	strace s3  }
0x97: {  	_ =	strace $0x8FFFFFFF  }
0x98: {  	s19 =	sld [smem:$0x3FDB];
	_ =	sdelay $0x1  }
0x99: {  	s4 =	simm.s32 $_scs_section_size  }
0x9a: {  	s5 =	simm.s32 $_size__tile_overlayer_lowered;
	s6 =	simm.s32 $_tile_overlayer_lowered  }
0x9b: {  	s22 =	simm.s32 $0x1BFF;
	s21 =	sshll.u32 s6, $0x1;
	s3 =	sadd.s32 s4, s19  }
0x9c: {  	s7 =	simm.s32 $0x0;
	s20 =	sshll.u32 s5, $0x1;
	s5 =	sadd.s32 s21, s3  }
0x9d: {  	[timem:s7], [sflag:s22] =	dma.local [hbm:s5], s20  }
0x9e: {  	_ =	swait.ge [sflag:s22], s20  }
0x9f: {  	s4 =	ssub.s32 $0x0, s20;
	[sflag:s22] =	ssyncset.done $0x0  }
0xa0: {  	[sflag:s22] =	ssyncadd.s32 s4;
	_ =	sdelay $0x1  }
0xa1: {  	s23 =	simm.s32 $0x1B8B  }
0xa2: {  	_ =	swait.ge [sflag:s23], $0x1  }
0xa3: {  	[sflag:s23] =	ssyncset.done $0x0  }
0xa4: {  	s25 =	simm.s32 $0x1B8E;
	s24 =	sld [smem:$0x3FFE];
	[sflag:s23] =	ssyncadd.s32 $0xFFFFFFFF  }
0xa5: {  	s26 =	simm.s32 $execute0_lowered;
	[smem:$0x3FD2] =	sst s25  }
0xa6: {  	s5 =	sshll.u32 s26, $0x1;
	_ =	strace $0x80000046;
	[dreg:$0x1] =	wrdreg $0xFFFFFFFF  }
0xa7: {  	s28 =	simm.s32 $_size_execute0_lowered;
	s3 =	sadd.s32 s3, s5;
	[dreg:$0x0] =	wrdreg $0x0  }
0xa8: {  	s5 =	sshll.u32 s28, $0x1;
	[dreg:$0x2] =	wrdreg s3  }
0xa9: {  	[dreg:$0x3] =	wrdreg s5  }
0xaa: {  	[dreg:$0x4] =	wrdreg $0xC0  }
0xab: {  	_ =	task [dreg:s7], $0x5FFFF  }
0xac: {  	[dreg:$0x1] =	wrdreg $0xFFFFFFFF  }
0xad: {  	[dreg:$0x0] =	wrdreg $0x60  }
0xae: {  	[dreg:$0x2] =	wrdreg s24  }
0xaf: {  	[dreg:$0x3] =	wrdreg s2  }
0xb0: {  	[dreg:$0x4] =	wrdreg $0x9  }
0xb1: {  	_ =	task.clear_ibuf [dreg:s7], $0x5FFFF;
	_ =	strace $0x90000046  }
0xb2: {  	s29 =	simm.s32 $0x9;
	_ =	strace $0x80000048  }
0xb3: {  	_ =	swait.ge [sflag:s29], $0x1  }
0xb4: {  	[sflag:s29] =	ssyncadd.s32 $0xFFFFFFFF  }
0xb5: {  	_ =	strace $0x90000048  }
0xb6: {  	_ =	sfence  }
0xb7: {  	s30 =	sld [smem:$0x0];
	_ =	sdelay $0x2  }
0xb8: {  	s31 =	sshll.u32 s1, $0xD;
	s1 =	sshrl.u32 s1, $0x2  }
0xb9: {  	s3 =	sand.u32 $0x4000, s31;
	s1 =	sadd.s32 s1, s30  }
0xba: {  	s0 =	sor.u32 s3, s0;
	s1 =	sshll.u32 s1, $0x11  }
0xbb: {  	s0 =	sor.u32 s1, s0  }
0xbc: {  	s0 =	sadd.s32 $0x8F2B, s0  }
0xbd: {  	[sflag:s0] =	ssyncadd.remote.s32 $0x1  }
0xbe: {  	_ =	sfence.sel $0xFFFF  }
0xbf: {  	[dreg:$0x0] =	wrdreg $0xFFFFFFFF;
	(pc) =	sbr.abs _section_cstart, $3  }
0xc0: {  	[dreg:$0x1] =	wrdreg $0xFFFFFFFF  }
0xc1: {  	_ =	task.clear_ibuf [dreg:s7], $0x2FFFF;
	_ =	strace $0x9FFFFFFF  }
0xc2: {  	(tm) =	ssettm $0x7FFFFFFF  }
0xc3: {  	_ =	shalt  }
tec
execute0_lowered:
.L_overlay_start_1:
0x0: {  	(tag) =	ssettag $0x1  }
0x1: {  	s6 =	rddreg [dreg:$0x0]  }
0x2: {  	s2 =	rddreg [dreg:$0x1]  }
0x3: {  	s0 =	rddreg [dreg:$0x2]  }
0x4: {  	s4 =	srdreg.scid;
	s1 =	stileid.u32;
	s3 =	simm.s32 $0x0  }
0x5: {  	s15 =	simm.s32 $0x3;
	s16 =	simm.s32 $0x1A0;
	s17 =	simm.s32 $0x4B0  }
0x6: {  	s18 =	simm.s32 $0x7F0;
	s19 =	simm.s32 $0x328;
	s20 =	simm.s32 $0x650  }
0x7: {  	s21 =	simm.s32 $0x3BF0;
	s22 =	simm.s32 $0x1;
	s23 =	simm.s32 $0x2  }
0x8: {  	s24 =	simm.s32 $0x0;
	s5 =	sand.u32 $0x1, s4;
	s31 =	sshll.u32 s1, $0x1  }
0x9: {  	[smem:$0x7FF] =	sst s3;
	s4 =	sadd.s32 $0xE00, s6;
	s8 =	sor.u32 s5, s31  }
0xa: {  	_ =	strace $0x80000047;
	s9 =	ssub.s32 $0x2, s5;
	s7 =	smul.u32 $0xC40, s8  }
0xb: {  	s5 =	sadd.s32 $0xF43200, s6;
	s10 =	smul.u32 $0xD0000, s8;
	s11 =	sshrl.u32 s9, $0x1  }
0xc: {  	s6 =	sadd.s32 $0x19600, s6;
	s8 =	sshll.u32 s8, $0x6;
	s14 =	ssub.s32 s9, s11  }
0xd: {  	s11 =	sor.u32 $0x3, s8;
	s7 =	sadd.s32 s4, s7;
	s10 =	sshrl.u32 s10, $0x3  }
0xe: {  	s14 =	smax.u32 s14, $0x1;
	s9 =	sadd.s32 $0x31, s7;
	s13 =	sadd.s32 s6, s10  }
0xf: {  	s10 =	sor.u32 $0x2, s8;
	s12 =	sadd.s32 $0x19300, s13;
	s13 =	sadd.s32 $0x19980, s13  }
.LBB2_1:
0x10: {  	[tilespmem:s3], [sflag:$0x3] =	stream.linear.gather [hbm4b:s2+s3], $0x1A0, $0x38;
	[tilespmem:$0x6FF0] =	vst v63  }
0x11: {  	_ =	swait.ge [sflag:s15], $0x1A0  }
0x12: {  	[sflag:s15] =	ssyncset.done $0x0  }
0x13: {  	[sflag:s15] =	ssyncadd.s32 $0xFFFFFE60  }
0x14: {  	[tilespmem:s16], [sflag:$0x3] =	stream.linear.gather [hbm4b:s7+s3], $0x188, $0x38;
	[tilespmem:$0x6FF0] =	vst v63  }
0x15: {  	_ =	swait.ge [sflag:s15], $0x188  }
0x16: {  	[sflag:s15] =	ssyncset.done $0x0  }
0x17: {  	s25 =	simm.s32 $0x0;
	[sflag:s15] =	ssyncadd.s32 $0xFFFFFE78  }
0x18: {  	v0 =	vld [tilespmem:s25+$0x0];
	_ =	sdelay $0x7  }
0x19: {  	s26 =	simm.s32 $0x10;
	s28 =	simm.s32 $0x80;
	v0 =	vld.idx.msk [tilespmem:v0+s16+$0x0], $0xffff  }
.LBB2_2:
0x1a: {  	p0 =	sne.s32 s28, $0x640;
	v1 =	vld [tilespmem:s26+$0x0];
	_ =	sdelay $0x3  }
.Ltmp0:
0x1b: {  	(pc) =	sbr.rel @p0 .LBB2_2-.Ltmp0, $2  }
0x1c: {  	[tilespmem:s25+$0x4B0] =	vst v0;
	s25 =	smov.u32 s26;
	_ =	sdelay $0x2  }
0x1d: {  	s26 =	sshra.s32 s28, $0x2;
	s28 =	sadd.s32 $0x40, s28;
	v0 =	vld.idx.msk [tilespmem:v1+s16+$0x0], $0xffff  }
0x1e: {  	v1 =	vld [tilespmem:s26+$0x0];
	_ =	sdelay $0x6  }
0x1f: {  	[tilespmem:s25+$0x4B0] =	vst v0  }
0x20: {  	v0 =	vld.idx.msk [tilespmem:v1+s16+$0x0], $0xffff;
	_ =	sdelay $0x4  }
0x21: {  	[tilespmem:s26+$0x4B0] =	vst v0  }
0x22: {  	[tilespmem:s18], [sflag:$0x1] =	stream.indirect.gather [hbm4b:s5+s16], $0x20, s17, s16, $0xb8;
	[tilespmem:$0x6FF0] =	vst v63  }
0x23: {  	s31 =	simm.s32 $0x0  }
0x24: {  	[tilespmem:s19], [sflag:$0x3] =	stream.linear.gather [hbm4b:s9+s31], $0x188, $0x38;
	[tilespmem:$0x6FF0] =	vst v63  }
0x25: {  	_ =	swait.ge [sflag:s15], $0x188  }
0x26: {  	[sflag:s15] =	ssyncset.done $0x0  }
0x27: {  	s25 =	simm.s32 $0x0;
	[sflag:s15] =	ssyncadd.s32 $0xFFFFFE78  }
0x28: {  	v0 =	vld [tilespmem:s25+$0x0];
	_ =	sdelay $0x7  }
0x29: {  	s28 =	simm.s32 $0x80;
	s26 =	simm.s32 $0x10;
	v0 =	vld.idx.msk [tilespmem:v0+s19+$0x0], $0xffff  }
.LBB2_4:
0x2a: {  	p0 =	sne.s32 s28, $0x640;
	v1 =	vld [tilespmem:s26+$0x0];
	_ =	sdelay $0x3  }
.Ltmp1:
0x2b: {  	(pc) =	sbr.rel @p0 .LBB2_4-.Ltmp1, $2  }
0x2c: {  	[tilespmem:s25+$0x650] =	vst v0;
	s25 =	smov.u32 s26;
	_ =	sdelay $0x2  }
0x2d: {  	s26 =	sshra.s32 s28, $0x2;
	s28 =	sadd.s32 $0x40, s28;
	v0 =	vld.idx.msk [tilespmem:v1+s19+$0x0], $0xffff  }
0x2e: {  	v1 =	vld [tilespmem:s26+$0x0];
	_ =	sdelay $0x6  }
0x2f: {  	[tilespmem:s25+$0x650] =	vst v0  }
0x30: {  	v0 =	vld.idx.msk [tilespmem:v1+s19+$0x0], $0xffff;
	_ =	sdelay $0x4  }
0x31: {  	s25 =	simm.s32 $0x0;
	[tilespmem:s26+$0x650] =	vst v0;
	s26 =	simm.s32 $0x0  }
0x32: {  	[tilespmem:s21], [sflag:$0x2] =	stream.indirect.gather [hbm4b:s5+s16], $0x20, s20, s16, $0xb8;
	[tilespmem:$0x6FF0] =	vst v63  }
.LBB2_6:
0x33: {  	s28 =	sshll.u32 s26, $0x1  }
0x34: {  	s29 =	sadd.s32 s8, s28  }
0x35: {  	_ =	swait.ge [sflag:s22], $0x3400;
	s29 =	smul.u32 $0x680, s29  }
0x36: {  	[sflag:s22] =	ssyncset.done $0x0  }
0x37: {  	[sflag:s22] =	ssyncadd.s32 $0xFFFFCC00;
	s29 =	sadd.s32 s6, s29  }
0x38: {  	[hbm4b:s29+s25] =	stream.linear.scatter [tilespmem:s18], [sflag:$0x3], $0x3400, $0x38;
	[tilespmem:$0x6FF0] =	vst v63  }
0x39: {  	s29 =	sadd.s32 s28, s10  }
0x3a: {  	_ =	swait.ge [sflag:s15], $0x3400;
	s29 =	smul.u32 $0x31, s29  }
0x3b: {  	[sflag:s15] =	ssyncset.done $0x0  }
0x3c: {  	[sflag:s15] =	ssyncadd.s32 $0xFFFFCC00;
	s29 =	sadd.s32 s4, s29  }
0x3d: {  	[tilespmem:s16], [sflag:$0x3] =	stream.linear.gather [hbm4b:s29+s25], $0x188, $0x38;
	[tilespmem:$0x6FF0] =	vst v63  }
0x3e: {  	_ =	swait.ge [sflag:s15], $0x188  }
0x3f: {  	[sflag:s15] =	ssyncset.done $0x0  }
0x40: {  	s29 =	simm.s32 $0x0;
	[sflag:s15] =	ssyncadd.s32 $0xFFFFFE78  }
0x41: {  	v0 =	vld [tilespmem:s29+$0x0];
	_ =	sdelay $0x7  }
0x42: {  	s30 =	simm.s32 $0x10;
	s31 =	simm.s32 $0x80;
	v0 =	vld.idx.msk [tilespmem:v0+s16+$0x0], $0xffff  }
.LBB2_7:
0x43: {  	p0 =	sne.s32 s31, $0x640;
	v1 =	vld [tilespmem:s30+$0x0];
	_ =	sdelay $0x3  }
.Ltmp2:
0x44: {  	(pc) =	sbr.rel @p0 .LBB2_7-.Ltmp2, $2  }
0x45: {  	[tilespmem:s29+$0x4B0] =	vst v0;
	s29 =	smov.u32 s30;
	_ =	sdelay $0x2  }
0x46: {  	s30 =	sshra.s32 s31, $0x2;
	s31 =	sadd.s32 $0x40, s31;
	v0 =	vld.idx.msk [tilespmem:v1+s16+$0x0], $0xffff  }
0x47: {  	v1 =	vld [tilespmem:s30+$0x0];
	_ =	sdelay $0x6  }
0x48: {  	[tilespmem:s29+$0x4B0] =	vst v0  }
0x49: {  	v0 =	vld.idx.msk [tilespmem:v1+s16+$0x0], $0xffff;
	_ =	sdelay $0x3  }
0x4a: {  	s29 =	sadd.s32 s28, s8  }
0x4b: {  	s29 =	smul.u32 $0x680, s29;
	[tilespmem:s30+$0x4B0] =	vst v0  }
0x4c: {  	[tilespmem:s18], [sflag:$0x1] =	stream.indirect.gather [hbm4b:s5+s16], $0x20, s17, s16, $0xb8;
	[tilespmem:$0x6FF0] =	vst v63  }
0x4d: {  	_ =	swait.ge [sflag:s23], $0x3400  }
0x4e: {  	s28 =	sadd.s32 s28, s11;
	s29 =	sadd.s32 s6, s29;
	[sflag:s23] =	ssyncset.done $0x0  }
0x4f: {  	s29 =	sadd.s32 $0x680, s29;
	s30 =	simm.s32 $0x0;
	[sflag:s23] =	ssyncadd.s32 $0xFFFFCC00  }
0x50: {  	[hbm4b:s29+s30] =	stream.linear.scatter [tilespmem:s21], [sflag:$0x3], $0x3400, $0x38;
	[tilespmem:$0x6FF0] =	vst v63  }
0x51: {  	s28 =	smul.u32 $0x31, s28;
	_ =	swait.ge [sflag:s15], $0x3400  }
0x52: {  	[sflag:s15] =	ssyncset.done $0x0  }
0x53: {  	s28 =	sadd.s32 s4, s28;
	[sflag:s15] =	ssyncadd.s32 $0xFFFFCC00  }
0x54: {  	[tilespmem:s19], [sflag:$0x3] =	stream.linear.gather [hbm4b:s28+s30], $0x188, $0x38;
	[tilespmem:$0x6FF0] =	vst v63  }
0x55: {  	_ =	swait.ge [sflag:s15], $0x188  }
0x56: {  	[sflag:s15] =	ssyncset.done $0x0  }
0x57: {  	s28 =	simm.s32 $0x0;
	[sflag:s15] =	ssyncadd.s32 $0xFFFFFE78  }
0x58: {  	v0 =	vld [tilespmem:s28+$0x0];
	_ =	sdelay $0x7  }
0x59: {  	s29 =	simm.s32 $0x10;
	s30 =	simm.s32 $0x80;
	v0 =	vld.idx.msk [tilespmem:v0+s19+$0x0], $0xffff  }
.LBB2_9:
0x5a: {  	p0 =	sne.s32 s30, $0x640;
	v1 =	vld [tilespmem:s29+$0x0];
	_ =	sdelay $0x3  }
.Ltmp3:
0x5b: {  	(pc) =	sbr.rel @p0 .LBB2_9-.Ltmp3, $2  }
0x5c: {  	[tilespmem:s28+$0x650] =	vst v0;
	s28 =	smov.u32 s29;
	_ =	sdelay $0x2  }
0x5d: {  	s29 =	sshra.s32 s30, $0x2;
	s30 =	sadd.s32 $0x40, s30;
	v0 =	vld.idx.msk [tilespmem:v1+s19+$0x0], $0xffff  }
0x5e: {  	v1 =	vld [tilespmem:s29+$0x0];
	_ =	sdelay $0x6  }
0x5f: {  	[tilespmem:s28+$0x650] =	vst v0  }
0x60: {  	s26 =	sadd.s32 $0x1, s26;
	v0 =	vld.idx.msk [tilespmem:v1+s19+$0x0], $0xffff  }
0x61: {  	p0 =	sne.s32 s26, $0x1F  }
.Ltmp4:
0x62: {  	_ = 	snop;
	(pc) =	sbr.rel @p0 .LBB2_6-.Ltmp4, $3  }
0x63: {  	_ =	sdelay $0x1  }
0x64: {  	[tilespmem:s29+$0x650] =	vst v0  }
0x65: {  	[tilespmem:s21], [sflag:$0x2] =	stream.indirect.gather [hbm4b:s5+s16], $0x20, s20, s16, $0xb8;
	[tilespmem:$0x6FF0] =	vst v63  }
0x66: {  	_ =	swait.ge [sflag:s22], $0x3400  }
0x67: {  	[sflag:s22] =	ssyncset.done $0x0  }
0x68: {  	[sflag:s22] =	ssyncadd.s32 $0xFFFFCC00  }
0x69: {  	[hbm4b:s12+s3] =	stream.linear.scatter [tilespmem:s18], [sflag:$0x3], $0x3400, $0x38;
	[tilespmem:$0x6FF0] =	vst v63  }
0x6a: {  	_ =	swait.ge [sflag:s15], $0x3400  }
0x6b: {  	[sflag:s15] =	ssyncset.done $0x0  }
0x6c: {  	[sflag:s15] =	ssyncadd.s32 $0xFFFFCC00  }
0x6d: {  	s24 =	sadd.s32 $0x1, s24;
	_ =	swait.ge [sflag:s23], $0x3400  }
0x6e: {  	p0 =	sne.s32 s24, s14;
	[sflag:s23] =	ssyncset.done $0x0  }
.Ltmp5:
0x6f: {  	[sflag:s23] =	ssyncadd.s32 $0xFFFFCC00;
	(pc) =	sbr.rel @p0 .LBB2_1-.Ltmp5, $4  }
0x70: {  	[hbm4b:s13+s3] =	stream.linear.scatter [tilespmem:s21], [sflag:$0x3], $0x3400, $0x38;
	[tilespmem:$0x6FF0] =	vst v63  }
0x71: {  	_ =	swait.ge [sflag:s15], $0x3400  }
0x72: {  	[sflag:s15] =	ssyncset.done $0x0  }
0x73: {  	[sflag:s15] =	ssyncadd.s32 $0xFFFFCC00  }
0x74: {  	_ =	sfence.sel $0x180000  }
0x75: {  	[bflag:$0x0] =	sbarrier.arrive $0xFFFF  }
0x76: {  	p0 =	sne.s32 s1, $0x0;
	_ =	strace $0x90000047  }
0x77: {  	s0 =	sadd.s32 @!p0 $0x100000, s0;
	[bflag:$0x2] =	sbarrier.arrive $0xFFFF  }
0x78: {  	[sflag:s0] =	ssyncadd.tile.s32 @!p0 $0x1;
	_ =	shalt  }
.Lfunc_end2:
_tile_overlayer_lowered:
.L_overlay_start_2:
0x79: {  	(tag) =	ssettag $0x2  }
0x7a: {  	s0 =	rddreg [dreg:$0x0];
	s2 =	stileid.u32  }
0x7b: {  	s1 =	rddreg [dreg:$0x1];
	p0 =	sne.s32 s2, $0x0  }
0x7c: {  	s3 =	rddreg [dreg:$0x2];
	[bflag:$0x3] =	sbarrier.arrive $0xFFFF;
	s2 =	simm.s32 @!p0 $0x1C03  }
0x7d: {  	[timem:s3], [sflag:s2] =	dma.local @!p0 [hbm:s0], s1  }
0x7e: {  	s0 =	simm.s32 @!p0 $0x3  }
0x7f: {  	_ =	swait.ge @!p0 [sflag:s0], s1  }
0x80: {  	s1 =	ssub.s32 @!p0 $0x0, s1;
	[sflag:s0] =	ssyncset.done @!p0 $0x0  }
0x81: {  	[sflag:s0] =	ssyncadd.s32 @!p0 s1  }
0x82: {  	[bflag:$0x3] =	sbarrier.arrive $0xFFFF  }
0x83: {  	_ =	shalt  }

</sc_bundles>
